<compile_context>
chip_gen: v7x
topology: tpu7x:2x2x1
jax: 0.10.2.dev20260603
libtpu: 0.0.44.dev20260713+nightly
codegen_flags: <defaults>
</compile_context>

<pallas_src>
import functools

import jax
import jax.numpy as jnp
from jax import lax
from jax.experimental import pallas as pl
from jax.experimental.pallas import tpu as pltpu
from jax.experimental.pallas import tpu_sc as plsc

_FEAT = 64
_BATCH = 16384
_ALPHA = 1.0
_EPS = 1e-12

_NC = 2
_NS = 16
_NW = _NC * _NS
_BPW = _BATCH // _NW
_GCHUNK = 128
_NCHUNK = _BPW // _GCHUNK

_TCB = 2048
_TCG = _BATCH // _TCB


def _gather_body(labels_hbm, centers_hbm, out_hbm, idx_v, c_v, sem):
    wid = lax.axis_index("s") * _NC + lax.axis_index("c")
    pltpu.sync_copy(labels_hbm.at[wid], idx_v)
    gathers = [
        pltpu.async_copy(
            centers_hbm.at[idx_v.at[k]],
            c_v.at[pl.ds(k * _GCHUNK, _GCHUNK)],
            sem,
        )
        for k in range(_NCHUNK)
    ]
    for g in gathers:
        g.wait()
    pltpu.sync_copy(c_v, out_hbm.at[pl.ds(wid * _BPW, _BPW)])


def _loss_body(f_ref, c_ref, o_ref):
    f = f_ref[...]
    c = c_ref[...]
    sf = jnp.sum(f * f, axis=1)
    sc = jnp.sum(c * c, axis=1)
    sfc = jnp.sum(f * c, axis=1)
    eps2 = jnp.float32(_EPS * _EPS)
    mf = jnp.maximum(sf, eps2)
    mc = jnp.maximum(sc, eps2)
    loss = sf / mf + sc / mc - 2.0 * sfc * lax.rsqrt(mf * mc)
    o_ref[...] = jnp.full((8, 128), jnp.sum(loss), jnp.float32)


@jax.jit
def kernel(feats, labels, centers):
    lab = labels.astype(jnp.int32).reshape(_NW, _NCHUNK, _GCHUNK)
    mesh = plsc.VectorSubcoreMesh(core_axis_name="c", subcore_axis_name="s")
    gather = functools.partial(
        pl.kernel,
        mesh=mesh,
        compiler_params=pltpu.CompilerParams(
            needs_layout_passes=False, use_tc_tiling_on_sc=False),
        out_type=jax.ShapeDtypeStruct((_BATCH, _FEAT), jnp.float32),
        scratch_types=[
            pltpu.VMEM((_NCHUNK, _GCHUNK), jnp.int32),
            pltpu.VMEM((_BPW, _FEAT), jnp.float32),
            pltpu.SemaphoreType.DMA,
        ],
    )(_gather_body)
    gathered = gather(lab, centers)

    total = pl.pallas_call(
        _loss_body,
        out_shape=jax.ShapeDtypeStruct((8, 128), jnp.float32),
    )(feats, gathered)
    return _ALPHA * (total[0, 0] / _BATCH)

# --- scband reference (transcript-rebuilt; emitter-appended) ---
"""Pipeline reference for scband-center-loss-82025285419345 (READ-ONLY COPY).

The authoritative reference and input builder live on the scoring server;
editing this copy changes nothing except your own understanding.
"""

import jax, jax.numpy as jnp
import numpy as np

NUM_CLASSES = 1000000
FEAT_DIM = 64
BATCH = 16384
ALPHA = 1.0

def _l2_normalize(x, axis, eps=1e-12):
    norm = jnp.sqrt(jnp.sum(x * x, axis=axis, keepdims=True))
    return x / jnp.maximum(norm, eps)

def setup_inputs(seed: int = 0) -> dict:
    key = jax.random.key(seed)
    k1, k2, k3 = jax.random.split(key, 3)
    feats = jax.random.normal(k1, (BATCH, FEAT_DIM), dtype=jnp.float32)
    labels = jax.random.randint(k2, (BATCH,), 0, NUM_CLASSES, dtype=jnp.int64 if jax.config.jax_enable_x64 else jnp.int32)
    centers = jax.random.normal(k3, (NUM_CLASSES, FEAT_DIM), dtype=jnp.float32)
    return {"feats": feats, "labels": labels, "centers": centers}

def reference(feats, labels, centers):
    f = _l2_normalize(feats, axis=1)
    c_all = _l2_normalize(centers, axis=1)
    c = jnp.take(c_all, labels, axis=0)
    diff = f - c
    loss = ALPHA * jnp.mean(jnp.sum(diff * diff, axis=1))
    return loss

if __name__ == "__main__":
    import jax
    _d = setup_inputs()
    print(jax.jit(kernel)(*tuple(_d.values())))

</pallas_src>

<mosaic_0001>
#map = affine_map<(d0, d1) -> (0, 0, 0)>
#map1 = affine_map<(d0, d1) -> (0, 0)>
module attributes {stable_mosaic.version = 14 : i64} {
  func.func @_gather_body(%arg0: i32, %arg1: i32, %arg2: memref<32x4x128xi32, #tpu.memory_space<hbm>>, %arg3: memref<1000000x64xf32, #tpu.memory_space<hbm>>, %arg4: memref<16384x64xf32, #tpu.memory_space<hbm>>, %arg5: memref<4x128xi32, #tpu.memory_space<vmem>>, %arg6: memref<512x64xf32, #tpu.memory_space<vmem>>, %arg7: memref<!tpu.dma_semaphore, #tpu.memory_space<semaphore_mem>>) attributes {dimension_semantics = [#tpu.dimension_semantics<core_parallel>, #tpu.dimension_semantics<subcore_parallel>], iteration_bounds = array<i64: 2, 16>, scalar_prefetch = 0 : i64, scratch_operands = 3 : i64, tpu.core_type = #tpu.core_type<sc_vector_subcore>, window_params = [{transform_indices = #map}, {transform_indices = #map1}, {transform_indices = #map1}]} {
    %mul3A = arith.constant 2 : i32
    %mul3A_0 = arith.muli %arg1, %mul3A : i32
    %add3A = arith.addi %mul3A_0, %arg0 : i32
    "tpu.region"() ({
      %run_scoped3A = tpu.sem_alloc : memref<!tpu.dma_semaphore, #tpu.memory_space<semaphore_mem>>
      %dma_start3A_81 = arith.constant 0 : i32
      %dma_start3A_82 = arith.constant 0 : i32
      %dma_start3A_83 = tpu.memref_slice %arg2[%add3A, %dma_start3A_81, %dma_start3A_82] : memref<32x4x128xi32, #tpu.memory_space<hbm>> -> memref<1x4x128xi32, #tpu.memory_space<hbm>>
      %dma_start3A_84 = tpu.memref_squeeze %dma_start3A_83 : memref<1x4x128xi32, #tpu.memory_space<hbm>> -> memref<4x128xi32, #tpu.memory_space<hbm>>
      %dma_start3A_85 = arith.constant 0 : i32
      %dma_start3A_86 = arith.constant 0 : i32
      %dma_start3A_87 = tpu.memref_slice %arg2[%add3A, %dma_start3A_85, %dma_start3A_86] : memref<32x4x128xi32, #tpu.memory_space<hbm>> -> memref<1x4x128xi32, #tpu.memory_space<hbm>>
      %dma_start3A_88 = tpu.memref_squeeze %dma_start3A_87 : memref<1x4x128xi32, #tpu.memory_space<hbm>> -> memref<4x128xi32, #tpu.memory_space<hbm>>
      tpu.enqueue_dma source(%dma_start3A_88 : memref<4x128xi32, #tpu.memory_space<hbm>>) target(%arg5 : memref<4x128xi32, #tpu.memory_space<vmem>>) target_semaphore(%run_scoped3A : memref<!tpu.dma_semaphore, #tpu.memory_space<semaphore_mem>>)
      %dma_wait3A_89 = arith.constant 0 : i32
      %dma_wait3A_90 = arith.constant 0 : i32
      %dma_wait3A_91 = tpu.memref_slice %arg2[%add3A, %dma_wait3A_89, %dma_wait3A_90] : memref<32x4x128xi32, #tpu.memory_space<hbm>> -> memref<1x4x128xi32, #tpu.memory_space<hbm>>
      %dma_wait3A_92 = tpu.memref_squeeze %dma_wait3A_91 : memref<1x4x128xi32, #tpu.memory_space<hbm>> -> memref<4x128xi32, #tpu.memory_space<hbm>>
      %dma_wait3A_93 = arith.constant 0 : i32
      %dma_wait3A_94 = arith.constant 0 : i32
      %dma_wait3A_95 = tpu.memref_slice %arg2[%add3A, %dma_wait3A_93, %dma_wait3A_94] : memref<32x4x128xi32, #tpu.memory_space<hbm>> -> memref<1x4x128xi32, #tpu.memory_space<hbm>>
      %dma_wait3A_96 = tpu.memref_squeeze %dma_wait3A_95 : memref<1x4x128xi32, #tpu.memory_space<hbm>> -> memref<4x128xi32, #tpu.memory_space<hbm>>
      tpu.wait_dma2 semaphore(%run_scoped3A : memref<!tpu.dma_semaphore, #tpu.memory_space<semaphore_mem>>) src(%dma_wait3A_96 : memref<4x128xi32, #tpu.memory_space<hbm>>) dst(%arg5 : memref<4x128xi32, #tpu.memory_space<vmem>>)
      tpu.yield
    }) : () -> ()
    %dma_start3A = arith.constant 0 : i32
    %dma_start3A_1 = arith.constant 0 : i32
    %dma_start3A_2 = arith.constant 0 : i32
    %dma_start3A_3 = tpu.memref_slice %arg6[%dma_start3A_1, %dma_start3A_2] : memref<512x64xf32, #tpu.memory_space<vmem>> -> memref<128x64xf32, #tpu.memory_space<vmem>>
    %dma_start3A_4 = arith.constant 0 : i32
    %dma_start3A_5 = tpu.memref_slice %arg5[%dma_start3A, %dma_start3A_4] : memref<4x128xi32, #tpu.memory_space<vmem>> -> memref<1x128xi32, #tpu.memory_space<vmem>>
    %dma_start3A_6 = tpu.memref_squeeze %dma_start3A_5 : memref<1x128xi32, #tpu.memory_space<vmem>> -> memref<128xi32, #tpu.memory_space<vmem>>
    %dma_start3A_7 = arith.constant 0 : i32
    %dma_start3A_8 = arith.constant 0 : i32
    %dma_start3A_9 = tpu.memref_slice %arg3[%dma_start3A_7, %dma_start3A_8] : memref<1000000x64xf32, #tpu.memory_space<hbm>> -> memref<1000000x64xf32, #tpu.memory_space<hbm>>
    tpu.enqueue_indirect_dma source(%dma_start3A_9 : memref<1000000x64xf32, #tpu.memory_space<hbm>>) target(%dma_start3A_3 : memref<128x64xf32, #tpu.memory_space<vmem>>) offsets(%dma_start3A_6 : memref<128xi32, #tpu.memory_space<vmem>>) semaphore(%arg7 : memref<!tpu.dma_semaphore, #tpu.memory_space<semaphore_mem>>)
    %dma_start3A_10 = arith.constant 1 : i32
    %dma_start3A_11 = arith.constant 128 : i32
    %dma_start3A_12 = arith.constant 0 : i32
    %dma_start3A_13 = tpu.memref_slice %arg6[%dma_start3A_11, %dma_start3A_12] : memref<512x64xf32, #tpu.memory_space<vmem>> -> memref<128x64xf32, #tpu.memory_space<vmem>>
    %dma_start3A_14 = arith.constant 0 : i32
    %dma_start3A_15 = tpu.memref_slice %arg5[%dma_start3A_10, %dma_start3A_14] : memref<4x128xi32, #tpu.memory_space<vmem>> -> memref<1x128xi32, #tpu.memory_space<vmem>>
    %dma_start3A_16 = tpu.memref_squeeze %dma_start3A_15 : memref<1x128xi32, #tpu.memory_space<vmem>> -> memref<128xi32, #tpu.memory_space<vmem>>
    %dma_start3A_17 = arith.constant 0 : i32
    %dma_start3A_18 = arith.constant 0 : i32
    %dma_start3A_19 = tpu.memref_slice %arg3[%dma_start3A_17, %dma_start3A_18] : memref<1000000x64xf32, #tpu.memory_space<hbm>> -> memref<1000000x64xf32, #tpu.memory_space<hbm>>
    tpu.enqueue_indirect_dma source(%dma_start3A_19 : memref<1000000x64xf32, #tpu.memory_space<hbm>>) target(%dma_start3A_13 : memref<128x64xf32, #tpu.memory_space<vmem>>) offsets(%dma_start3A_16 : memref<128xi32, #tpu.memory_space<vmem>>) semaphore(%arg7 : memref<!tpu.dma_semaphore, #tpu.memory_space<semaphore_mem>>)
    %dma_start3A_20 = arith.constant 2 : i32
    %dma_start3A_21 = arith.constant 256 : i32
    %dma_start3A_22 = arith.constant 0 : i32
    %dma_start3A_23 = tpu.memref_slice %arg6[%dma_start3A_21, %dma_start3A_22] : memref<512x64xf32, #tpu.memory_space<vmem>> -> memref<128x64xf32, #tpu.memory_space<vmem>>
    %dma_start3A_24 = arith.constant 0 : i32
    %dma_start3A_25 = tpu.memref_slice %arg5[%dma_start3A_20, %dma_start3A_24] : memref<4x128xi32, #tpu.memory_space<vmem>> -> memref<1x128xi32, #tpu.memory_space<vmem>>
    %dma_start3A_26 = tpu.memref_squeeze %dma_start3A_25 : memref<1x128xi32, #tpu.memory_space<vmem>> -> memref<128xi32, #tpu.memory_space<vmem>>
    %dma_start3A_27 = arith.constant 0 : i32
    %dma_start3A_28 = arith.constant 0 : i32
    %dma_start3A_29 = tpu.memref_slice %arg3[%dma_start3A_27, %dma_start3A_28] : memref<1000000x64xf32, #tpu.memory_space<hbm>> -> memref<1000000x64xf32, #tpu.memory_space<hbm>>
    tpu.enqueue_indirect_dma source(%dma_start3A_29 : memref<1000000x64xf32, #tpu.memory_space<hbm>>) target(%dma_start3A_23 : memref<128x64xf32, #tpu.memory_space<vmem>>) offsets(%dma_start3A_26 : memref<128xi32, #tpu.memory_space<vmem>>) semaphore(%arg7 : memref<!tpu.dma_semaphore, #tpu.memory_space<semaphore_mem>>)
    %dma_start3A_30 = arith.constant 3 : i32
    %dma_start3A_31 = arith.constant 384 : i32
    %dma_start3A_32 = arith.constant 0 : i32
    %dma_start3A_33 = tpu.memref_slice %arg6[%dma_start3A_31, %dma_start3A_32] : memref<512x64xf32, #tpu.memory_space<vmem>> -> memref<128x64xf32, #tpu.memory_space<vmem>>
    %dma_start3A_34 = arith.constant 0 : i32
    %dma_start3A_35 = tpu.memref_slice %arg5[%dma_start3A_30, %dma_start3A_34] : memref<4x128xi32, #tpu.memory_space<vmem>> -> memref<1x128xi32, #tpu.memory_space<vmem>>
    %dma_start3A_36 = tpu.memref_squeeze %dma_start3A_35 : memref<1x128xi32, #tpu.memory_space<vmem>> -> memref<128xi32, #tpu.memory_space<vmem>>
    %dma_start3A_37 = arith.constant 0 : i32
    %dma_start3A_38 = arith.constant 0 : i32
    %dma_start3A_39 = tpu.memref_slice %arg3[%dma_start3A_37, %dma_start3A_38] : memref<1000000x64xf32, #tpu.memory_space<hbm>> -> memref<1000000x64xf32, #tpu.memory_space<hbm>>
    tpu.enqueue_indirect_dma source(%dma_start3A_39 : memref<1000000x64xf32, #tpu.memory_space<hbm>>) target(%dma_start3A_33 : memref<128x64xf32, #tpu.memory_space<vmem>>) offsets(%dma_start3A_36 : memref<128xi32, #tpu.memory_space<vmem>>) semaphore(%arg7 : memref<!tpu.dma_semaphore, #tpu.memory_space<semaphore_mem>>)
    %dma_wait3A = arith.constant 0 : i32
    %dma_wait3A_40 = arith.constant 0 : i32
    %dma_wait3A_41 = arith.constant 0 : i32
    %dma_wait3A_42 = tpu.memref_slice %arg6[%dma_wait3A_40, %dma_wait3A_41] : memref<512x64xf32, #tpu.memory_space<vmem>> -> memref<128x64xf32, #tpu.memory_space<vmem>>
    %dma_wait3A_43 = arith.constant 0 : i32
    %dma_wait3A_44 = tpu.memref_slice %arg5[%dma_wait3A, %dma_wait3A_43] : memref<4x128xi32, #tpu.memory_space<vmem>> -> memref<1x128xi32, #tpu.memory_space<vmem>>
    %dma_wait3A_45 = tpu.memref_squeeze %dma_wait3A_44 : memref<1x128xi32, #tpu.memory_space<vmem>> -> memref<128xi32, #tpu.memory_space<vmem>>
    %dma_wait3A_46 = arith.constant 0 : i32
    %dma_wait3A_47 = arith.constant 0 : i32
    %dma_wait3A_48 = tpu.memref_slice %arg3[%dma_wait3A_46, %dma_wait3A_47] : memref<1000000x64xf32, #tpu.memory_space<hbm>> -> memref<1000000x64xf32, #tpu.memory_space<hbm>>
    tpu.wait_indirect_dma semaphore(%arg7 : memref<!tpu.dma_semaphore, #tpu.memory_space<semaphore_mem>>) src(%dma_wait3A_48 : memref<1000000x64xf32, #tpu.memory_space<hbm>>) dst(%dma_wait3A_42 : memref<128x64xf32, #tpu.memory_space<vmem>>)
    %dma_wait3A_49 = arith.constant 1 : i32
    %dma_wait3A_50 = arith.constant 128 : i32
    %dma_wait3A_51 = arith.constant 0 : i32
    %dma_wait3A_52 = tpu.memref_slice %arg6[%dma_wait3A_50, %dma_wait3A_51] : memref<512x64xf32, #tpu.memory_space<vmem>> -> memref<128x64xf32, #tpu.memory_space<vmem>>
    %dma_wait3A_53 = arith.constant 0 : i32
    %dma_wait3A_54 = tpu.memref_slice %arg5[%dma_wait3A_49, %dma_wait3A_53] : memref<4x128xi32, #tpu.memory_space<vmem>> -> memref<1x128xi32, #tpu.memory_space<vmem>>
    %dma_wait3A_55 = tpu.memref_squeeze %dma_wait3A_54 : memref<1x128xi32, #tpu.memory_space<vmem>> -> memref<128xi32, #tpu.memory_space<vmem>>
    %dma_wait3A_56 = arith.constant 0 : i32
    %dma_wait3A_57 = arith.constant 0 : i32
    %dma_wait3A_58 = tpu.memref_slice %arg3[%dma_wait3A_56, %dma_wait3A_57] : memref<1000000x64xf32, #tpu.memory_space<hbm>> -> memref<1000000x64xf32, #tpu.memory_space<hbm>>
    tpu.wait_indirect_dma semaphore(%arg7 : memref<!tpu.dma_semaphore, #tpu.memory_space<semaphore_mem>>) src(%dma_wait3A_58 : memref<1000000x64xf32, #tpu.memory_space<hbm>>) dst(%dma_wait3A_52 : memref<128x64xf32, #tpu.memory_space<vmem>>)
    %dma_wait3A_59 = arith.constant 2 : i32
    %dma_wait3A_60 = arith.constant 256 : i32
    %dma_wait3A_61 = arith.constant 0 : i32
    %dma_wait3A_62 = tpu.memref_slice %arg6[%dma_wait3A_60, %dma_wait3A_61] : memref<512x64xf32, #tpu.memory_space<vmem>> -> memref<128x64xf32, #tpu.memory_space<vmem>>
    %dma_wait3A_63 = arith.constant 0 : i32
    %dma_wait3A_64 = tpu.memref_slice %arg5[%dma_wait3A_59, %dma_wait3A_63] : memref<4x128xi32, #tpu.memory_space<vmem>> -> memref<1x128xi32, #tpu.memory_space<vmem>>
    %dma_wait3A_65 = tpu.memref_squeeze %dma_wait3A_64 : memref<1x128xi32, #tpu.memory_space<vmem>> -> memref<128xi32, #tpu.memory_space<vmem>>
    %dma_wait3A_66 = arith.constant 0 : i32
    %dma_wait3A_67 = arith.constant 0 : i32
    %dma_wait3A_68 = tpu.memref_slice %arg3[%dma_wait3A_66, %dma_wait3A_67] : memref<1000000x64xf32, #tpu.memory_space<hbm>> -> memref<1000000x64xf32, #tpu.memory_space<hbm>>
    tpu.wait_indirect_dma semaphore(%arg7 : memref<!tpu.dma_semaphore, #tpu.memory_space<semaphore_mem>>) src(%dma_wait3A_68 : memref<1000000x64xf32, #tpu.memory_space<hbm>>) dst(%dma_wait3A_62 : memref<128x64xf32, #tpu.memory_space<vmem>>)
    %dma_wait3A_69 = arith.constant 3 : i32
    %dma_wait3A_70 = arith.constant 384 : i32
    %dma_wait3A_71 = arith.constant 0 : i32
    %dma_wait3A_72 = tpu.memref_slice %arg6[%dma_wait3A_70, %dma_wait3A_71] : memref<512x64xf32, #tpu.memory_space<vmem>> -> memref<128x64xf32, #tpu.memory_space<vmem>>
    %dma_wait3A_73 = arith.constant 0 : i32
    %dma_wait3A_74 = tpu.memref_slice %arg5[%dma_wait3A_69, %dma_wait3A_73] : memref<4x128xi32, #tpu.memory_space<vmem>> -> memref<1x128xi32, #tpu.memory_space<vmem>>
    %dma_wait3A_75 = tpu.memref_squeeze %dma_wait3A_74 : memref<1x128xi32, #tpu.memory_space<vmem>> -> memref<128xi32, #tpu.memory_space<vmem>>
    %dma_wait3A_76 = arith.constant 0 : i32
    %dma_wait3A_77 = arith.constant 0 : i32
    %dma_wait3A_78 = tpu.memref_slice %arg3[%dma_wait3A_76, %dma_wait3A_77] : memref<1000000x64xf32, #tpu.memory_space<hbm>> -> memref<1000000x64xf32, #tpu.memory_space<hbm>>
    tpu.wait_indirect_dma semaphore(%arg7 : memref<!tpu.dma_semaphore, #tpu.memory_space<semaphore_mem>>) src(%dma_wait3A_78 : memref<1000000x64xf32, #tpu.memory_space<hbm>>) dst(%dma_wait3A_72 : memref<128x64xf32, #tpu.memory_space<vmem>>)
    %mul3A_79 = arith.constant 512 : i32
    %mul3A_80 = arith.muli %add3A, %mul3A_79 : i32
    "tpu.region"() ({
      %run_scoped3A = tpu.sem_alloc : memref<!tpu.dma_semaphore, #tpu.memory_space<semaphore_mem>>
      %dma_start3A_81 = arith.constant 0 : i32
      %dma_start3A_82 = tpu.memref_slice %arg4[%mul3A_80, %dma_start3A_81] : memref<16384x64xf32, #tpu.memory_space<hbm>> -> memref<512x64xf32, #tpu.memory_space<hbm>>
      %dma_start3A_83 = arith.constant 0 : i32
      %dma_start3A_84 = tpu.memref_slice %arg4[%mul3A_80, %dma_start3A_83] : memref<16384x64xf32, #tpu.memory_space<hbm>> -> memref<512x64xf32, #tpu.memory_space<hbm>>
      tpu.enqueue_dma source(%arg6 : memref<512x64xf32, #tpu.memory_space<vmem>>) target(%dma_start3A_84 : memref<512x64xf32, #tpu.memory_space<hbm>>) target_semaphore(%run_scoped3A : memref<!tpu.dma_semaphore, #tpu.memory_space<semaphore_mem>>)
      %dma_wait3A_85 = arith.constant 0 : i32
      %dma_wait3A_86 = tpu.memref_slice %arg4[%mul3A_80, %dma_wait3A_85] : memref<16384x64xf32, #tpu.memory_space<hbm>> -> memref<512x64xf32, #tpu.memory_space<hbm>>
      %dma_wait3A_87 = arith.constant 0 : i32
      %dma_wait3A_88 = tpu.memref_slice %arg4[%mul3A_80, %dma_wait3A_87] : memref<16384x64xf32, #tpu.memory_space<hbm>> -> memref<512x64xf32, #tpu.memory_space<hbm>>
      tpu.wait_dma2 semaphore(%run_scoped3A : memref<!tpu.dma_semaphore, #tpu.memory_space<semaphore_mem>>) src(%arg6 : memref<512x64xf32, #tpu.memory_space<vmem>>) dst(%dma_wait3A_88 : memref<512x64xf32, #tpu.memory_space<hbm>>)
      tpu.yield
    }) : () -> ()
    return
  }
}

module attributes {stable_mosaic.version = 14 : i64} {
  func.func @_loss_body(%arg0: memref<16384x64xf32, #tpu.memory_space<vmem>>, %arg1: memref<16384x64xf32, #tpu.memory_space<vmem>>, %arg2: memref<8x128xf32, #tpu.memory_space<vmem>>) attributes {dimension_semantics = [], scalar_prefetch = 0 : i64, scratch_operands = 0 : i64, tpu.core_type = #tpu.core_type<tc>} {
    %get3A = arith.constant 0 : index
    %get3A_0 = arith.constant 0 : index
    %get3A_1 = vector.load %arg0[%get3A, %get3A_0] : memref<16384x64xf32, #tpu.memory_space<vmem>>, vector<16384x64xf32>
    %get3A_2 = arith.constant 0 : index
    %get3A_3 = arith.constant 0 : index
    %get3A_4 = vector.load %arg1[%get3A_2, %get3A_3] : memref<16384x64xf32, #tpu.memory_space<vmem>>, vector<16384x64xf32>
    %mul3A = arith.mulf %get3A_1, %get3A_1 : vector<16384x64xf32>
    %reduce_sum3A = arith.constant dense<0.000000e+00> : vector<16384xf32>
    %reduce_sum3A_5 = vector.multi_reduction <add>, %mul3A, %reduce_sum3A [1] : vector<16384x64xf32> to vector<16384xf32>
    %mul3A_6 = arith.mulf %get3A_4, %get3A_4 : vector<16384x64xf32>
    %reduce_sum3A_7 = arith.constant dense<0.000000e+00> : vector<16384xf32>
    %reduce_sum3A_8 = vector.multi_reduction <add>, %mul3A_6, %reduce_sum3A_7 [1] : vector<16384x64xf32> to vector<16384xf32>
    %mul3A_9 = arith.mulf %get3A_1, %get3A_4 : vector<16384x64xf32>
    %reduce_sum3A_10 = arith.constant dense<0.000000e+00> : vector<16384xf32>
    %reduce_sum3A_11 = vector.multi_reduction <add>, %mul3A_9, %reduce_sum3A_10 [1] : vector<16384x64xf32> to vector<16384xf32>
    %max3A = arith.constant 1.000000e-24 : f32
    %max3A_12 = vector.broadcast %max3A : f32 to vector<16384xf32>
    %max3A_13 = arith.maximumf %reduce_sum3A_5, %max3A_12 : vector<16384xf32>
    %max3A_14 = arith.constant 1.000000e-24 : f32
    %max3A_15 = vector.broadcast %max3A_14 : f32 to vector<16384xf32>
    %max3A_16 = arith.maximumf %reduce_sum3A_8, %max3A_15 : vector<16384xf32>
    %div3A = arith.divf %reduce_sum3A_5, %max3A_13 : vector<16384xf32>
    %div3A_17 = arith.divf %reduce_sum3A_8, %max3A_16 : vector<16384xf32>
    %add3A = arith.addf %div3A, %div3A_17 : vector<16384xf32>
    %mul3A_18 = arith.constant 2.000000e+00 : f32
    %mul3A_19 = vector.broadcast %mul3A_18 : f32 to vector<16384xf32>
    %mul3A_20 = arith.mulf %mul3A_19, %reduce_sum3A_11 : vector<16384xf32>
    %mul3A_21 = arith.mulf %max3A_13, %max3A_16 : vector<16384xf32>
    %rsqrt3A = math.rsqrt %mul3A_21 : vector<16384xf32>
    %mul3A_22 = arith.mulf %mul3A_20, %rsqrt3A : vector<16384xf32>
    %sub3A = arith.subf %add3A, %mul3A_22 : vector<16384xf32>
    %reduce_sum3A_23 = vector.shape_cast %sub3A : vector<16384xf32> to vector<1x16384xf32>
    %reduce_sum3A_24 = arith.constant dense<0.000000e+00> : vector<1xf32>
    %reduce_sum3A_25 = vector.multi_reduction <add>, %reduce_sum3A_23, %reduce_sum3A_24 [1] : vector<1x16384xf32> to vector<1xf32>
    %reduce_sum3A_26 = vector.shape_cast %reduce_sum3A_25 : vector<1xf32> to vector<1x1xf32>
    %reduce_sum3A_27 = vector.extract %reduce_sum3A_26[0, 0] : f32 from vector<1x1xf32>
    %broadcast_in_dim3A = vector.broadcast %reduce_sum3A_27 : f32 to vector<8x128xf32>
    %swap3A = arith.constant 0 : index
    %swap3A_28 = arith.constant 0 : index
    %swap3A_29 = vector.load %arg2[%swap3A, %swap3A_28] : memref<8x128xf32, #tpu.memory_space<vmem>>, vector<8x128xf32>
    tpu.vector_store %arg2[%swap3A, %swap3A_28], %broadcast_in_dim3A {strides = array<i32>} : memref<8x128xf32, #tpu.memory_space<vmem>>, vector<8x128xf32>,
    return
  }
}

</mosaic_0001>

<sc_bundles>
// kernel: kernel.4.cloned.1.call-start
scs
__scs_entry_jumppad:
0x0: {  	(pc) =	sbr.rel $0x88, $3  }
0x1: {  	(tag) =	ssettag $0x0;
	lr =	simm.s32 $0x1  }
0x2: {  	[smem:$0x3F9E] =	sst lr;
	_ =	strace $0xD0000000  }
0x3: {  	_ = 	snop  }
0x4: {  	_ = 	snop  }
0x5: {  	_ = 	snop  }
0x6: {  	_ = 	snop  }
0x7: {  	_ = 	snop  }
__scs_overlays_trampoline_lowered:
0x8: {  	[smem:$0x3FAD] =	sst s0  }
0x9: {  	[smem:$0x3FAE] =	sst s1  }
0xa: {  	[smem:$0x3FAF] =	sst s2  }
0xb: {  	[smem:$0x3FB0] =	sst s3  }
0xc: {  	[smem:$0x3FB1] =	sst s4  }
0xd: {  	[smem:$0x3FB2] =	sst s5  }
0xe: {  	[smem:$0x3FB3] =	sst s6  }
0xf: {  	[smem:$0x3FB4] =	sst s7  }
0x10: {  	[smem:$0x3FB5] =	sst s8  }
0x11: {  	[smem:$0x3FB6] =	sst s9;
	s0 =	simm.s32 @!p0 $0x0  }
0x12: {  	s1 =	sld [smem:$0x3F9C];
	s0 =	simm.s32 @p0 $0x1  }
0x13: {  	[smem:$0x3FB7] =	sst s0;
	s0 =	simm.s32 @!p1 $0x0  }
0x14: {  	s2 =	sld [smem:$0x3F9B];
	s0 =	simm.s32 @p1 $0x1  }
0x15: {  	[smem:$0x3FB8] =	sst s0;
	s0 =	simm.s32 @!p2 $0x0  }
0x16: {  	s3 =	sld [smem:$0x3FDB];
	s0 =	simm.s32 @p2 $0x1  }
0x17: {  	s4 =	simm.s32 $0x1BF5;
	[smem:$0x3FBA] =	sst s0  }
0x18: {  	s0 =	sld [smem:$0x3F9D];
	_ =	swait.ge [sflag:s4], $0x0  }
0x19: {  	s7 =	sld [smem:$0x3F9E]  }
0x1a: {  	s8 =	sadd.s32 $0xFFFFE003, lr  }
0x1b: {  	s9 =	sadd.s32 $0xFFFFFEF7, lr;
	s5 =	simm.s32 $0xFFFFFFFF;
	p2 =	slt.u32 s8, $0xFFFFF086  }
0x1c: {  	p1 =	slt.u32 s9, $0xF7A;
	s5 =	simm.s32 @!p2 $0x0  }
0x1d: {  	s5 =	simm.s32 @p1 $0x1;
	p0 =	seq.s32 s7, s2  }
0x1e: {  	s7 =	smul.u32 @!p0 $0xF7A, s2;
	p2 =	seq.s32 @!p0 s5, $0x0  }
0x1f: {  	s9 =	smul.u32 $0xF7A, s1;
	s8 =	simm.s32 @!p0 $0x1BF5;
	p2 =	por !p2, p0  }
0x20: {  	[sflag:s8] =	ssyncset.s32 @!p0 $0xFFFFF086;
	s6 =	sadd.s32 @!p0 s3, s7;
	s7 =	simm.s32 @!p0 $0x108  }
0x21: {  	s3 =	sadd.s32 s3, s9;
	s6 =	sadd.s32 @!p0 $0x88, s6;
	s7 =	simm.s32 @p2 $0x1082  }
0x22: {  	[simem:s7], [sflag:s8] =	dma.local @!p0 [hbm:s6], $0xF7A  }
0x23: {  	s9 =	sor.u32 $0xD0000000, s2;
	s6 =	simm.s32 $0x108;
	_ =	swait.ge @!p0 [sflag:s8], $0x0  }
0x24: {  	s3 =	sadd.s32 $0x88, s3;
	s6 =	simm.s32 @!p1 $0x1082;
	[sflag:s4] =	ssyncset.s32 $0xFFFFF086  }
0x25: {  	[simem:s6], [sflag:s4] =	dma.local [hbm:s3], $0xF7A  }
0x26: {  	[smem:$0x3F9E] =	sst s1;
	(tag) =	ssettag s2;
	_ =	strace s9  }
0x27: {  	s1 =	sld [smem:$0x3FAE]  }
0x28: {  	s2 =	sld [smem:$0x3FAF]  }
0x29: {  	s4 =	sld [smem:$0x3FB1]  }
0x2a: {  	p0 =	seq.s32 s5, $0x0;
	s5 =	sld [smem:$0x3FB2]  }
0x2b: {  	s6 =	sld [smem:$0x3FB3]  }
0x2c: {  	s7 =	sld [smem:$0x3FB4]  }
0x2d: {  	s3 =	simm.s32 $0x108;
	s8 =	sld [smem:$0x3FB5]  }
0x2e: {  	s3 =	simm.s32 @!p0 $0x1082;
	s9 =	sld [smem:$0x3FB6]  }
0x2f: {  	lr =	sadd.s32 s0, s3;
	s0 =	sld [smem:$0x3FAD]  }
0x30: {  	s3 =	sld [smem:$0x3FB0]  }
0x31: {  	[smem:$0x3FB9] =	sst s10  }
0x32: {  	s10 =	sld [smem:$0x3FB7];
	_ =	sdelay $0x3  }
0x33: {  	p0 =	seq.s32 s10, $0x1;
	s10 =	sld [smem:$0x3FB9];
	_ =	sdelay $0x3  }
0x34: {  	[smem:$0x3FB9] =	sst s10  }
0x35: {  	s10 =	sld [smem:$0x3FB8];
	_ =	sdelay $0x3  }
0x36: {  	p1 =	seq.s32 s10, $0x1;
	s10 =	sld [smem:$0x3FB9];
	_ =	sdelay $0x3  }
0x37: {  	[smem:$0x3FB9] =	sst s10  }
0x38: {  	s10 =	sld [smem:$0x3FBA]  }
0x39: {  	_ = 	snop;
	(pc) =	sbr.ind lr, $3  }
0x3a: {  	_ = 	snop  }
0x3b: {  	_ = 	snop  }
0x3c: {  	p2 =	seq.s32 s10, $0x1;
	s10 =	sld [smem:$0x3FB9]  }
0x3d: {  	_ =	shalt  }
0x3e: {  	_ =	shalt  }
0x3f: {  	_ =	shalt  }
0x40: {  	_ =	shalt  }
0x41: {  	_ =	shalt  }
0x42: {  	_ =	shalt  }
0x43: {  	_ =	shalt  }
0x44: {  	_ =	shalt  }
0x45: {  	_ =	shalt  }
0x46: {  	_ =	shalt  }
0x47: {  	_ =	shalt  }
0x48: {  	_ =	shalt  }
0x49: {  	_ =	shalt  }
0x4a: {  	_ =	shalt  }
0x4b: {  	_ =	shalt  }
0x4c: {  	_ =	shalt  }
0x4d: {  	_ =	shalt  }
0x4e: {  	_ =	shalt  }
0x4f: {  	_ =	shalt  }
0x50: {  	_ =	shalt  }
0x51: {  	_ =	shalt  }
0x52: {  	_ =	shalt  }
0x53: {  	_ =	shalt  }
0x54: {  	_ =	shalt  }
0x55: {  	_ =	shalt  }
0x56: {  	_ =	shalt  }
0x57: {  	_ =	shalt  }
0x58: {  	_ =	shalt  }
0x59: {  	_ =	shalt  }
0x5a: {  	_ =	shalt  }
0x5b: {  	_ =	shalt  }
0x5c: {  	_ =	shalt  }
0x5d: {  	_ =	shalt  }
0x5e: {  	_ =	shalt  }
0x5f: {  	_ =	shalt  }
0x60: {  	_ =	shalt  }
0x61: {  	_ =	shalt  }
0x62: {  	_ =	shalt  }
0x63: {  	_ =	shalt  }
0x64: {  	_ =	shalt  }
0x65: {  	_ =	shalt  }
0x66: {  	_ =	shalt  }
0x67: {  	_ =	shalt  }
0x68: {  	_ =	shalt  }
0x69: {  	_ =	shalt  }
0x6a: {  	_ =	shalt  }
0x6b: {  	_ =	shalt  }
0x6c: {  	_ =	shalt  }
0x6d: {  	_ =	shalt  }
0x6e: {  	_ =	shalt  }
0x6f: {  	_ =	shalt  }
0x70: {  	_ =	shalt  }
0x71: {  	_ =	shalt  }
0x72: {  	_ =	shalt  }
0x73: {  	_ =	shalt  }
0x74: {  	_ =	shalt  }
0x75: {  	_ =	shalt  }
0x76: {  	_ =	shalt  }
0x77: {  	_ =	shalt  }
0x78: {  	_ =	shalt  }
0x79: {  	_ =	shalt  }
0x7a: {  	_ =	shalt  }
0x7b: {  	_ =	shalt  }
0x7c: {  	_ =	shalt  }
0x7d: {  	_ =	shalt  }
0x7e: {  	_ =	shalt  }
0x7f: {  	_ =	shalt  }
0x80: {  	_ =	shalt  }
0x81: {  	_ =	shalt  }
0x82: {  	_ =	shalt  }
0x83: {  	_ =	shalt  }
0x84: {  	_ =	shalt  }
0x85: {  	_ =	shalt  }
0x86: {  	_ =	shalt  }
0x87: {  	_ =	shalt  }
.Lfunc_end0:
.L_simem_size_0:
called_computation_lowered:
.L_overlay_start_0:
0x88: {  	s2 =	sld [smem:$0x3FD9]  }
0x89: {  	s3 =	sld [smem:$0x3FFE];
	_ =	sdelay $0x1  }
0x8a: {  	s1 =	srdreg.scid  }
0x8b: {  	s0 =	sand.u32 $0x1, s1  }
0x8c: {  	s17 =	sshll.u32 s0, $0xA;
	s2 =	sadd.s32 s3, s2  }
0x8d: {  	s2 =	sadd.s32 s2, s17  }
0x8e: {  	[smem:$0x3FC5] =	sst s2  }
0x8f: {  	_ = 	snop  }
0x90: {  	s2 =	sld [smem:$0x3FC8];
	(tm) =	ssettm $0x1  }
0x91: {  	s18 =	sld [smem:$0x3FFB];
	_ =	sdelay $0x3  }
0x92: {  	_ =	strace s18  }
0x93: {  	s3 =	sld [smem:$0x3FFC];
	_ =	sdelay $0x3  }
0x94: {  	_ =	strace s3  }
0x95: {  	s3 =	sld [smem:$0x3FFD];
	_ =	sdelay $0x3  }
0x96: {  	_ =	strace s3  }
0x97: {  	_ =	strace $0x8FFFFFFF  }
0x98: {  	s19 =	sld [smem:$0x3FDB];
	_ =	sdelay $0x1  }
0x99: {  	s4 =	simm.s32 $_scs_section_size  }
0x9a: {  	s5 =	simm.s32 $_size__tile_overlayer_lowered;
	s6 =	simm.s32 $_tile_overlayer_lowered  }
0x9b: {  	s22 =	simm.s32 $0x1BFF;
	s21 =	sshll.u32 s6, $0x1;
	s3 =	sadd.s32 s4, s19  }
0x9c: {  	s7 =	simm.s32 $0x0;
	s20 =	sshll.u32 s5, $0x1;
	s5 =	sadd.s32 s21, s3  }
0x9d: {  	[timem:s7], [sflag:s22] =	dma.local [hbm:s5], s20  }
0x9e: {  	_ =	swait.ge [sflag:s22], s20  }
0x9f: {  	s4 =	ssub.s32 $0x0, s20;
	[sflag:s22] =	ssyncset.done $0x0  }
0xa0: {  	[sflag:s22] =	ssyncadd.s32 s4;
	_ =	sdelay $0x1  }
0xa1: {  	s23 =	simm.s32 $0x1B8B  }
0xa2: {  	_ =	swait.ge [sflag:s23], $0x1  }
0xa3: {  	[sflag:s23] =	ssyncset.done $0x0  }
0xa4: {  	s25 =	simm.s32 $0x1B8E;
	s24 =	sld [smem:$0x3FFE];
	[sflag:s23] =	ssyncadd.s32 $0xFFFFFFFF  }
0xa5: {  	s26 =	simm.s32 $execute0_lowered;
	[smem:$0x3FD2] =	sst s25  }
0xa6: {  	s5 =	sshll.u32 s26, $0x1;
	_ =	strace $0x80000046;
	[dreg:$0x1] =	wrdreg $0xFFFFFFFF  }
0xa7: {  	s28 =	simm.s32 $_size_execute0_lowered;
	s3 =	sadd.s32 s3, s5;
	[dreg:$0x0] =	wrdreg $0x0  }
0xa8: {  	s5 =	sshll.u32 s28, $0x1;
	[dreg:$0x2] =	wrdreg s3  }
0xa9: {  	[dreg:$0x3] =	wrdreg s5  }
0xaa: {  	[dreg:$0x4] =	wrdreg $0xC0  }
0xab: {  	_ =	task [dreg:s7], $0x5FFFF  }
0xac: {  	[dreg:$0x1] =	wrdreg $0xFFFFFFFF  }
0xad: {  	[dreg:$0x0] =	wrdreg $0x60  }
0xae: {  	[dreg:$0x2] =	wrdreg s2  }
0xaf: {  	[dreg:$0x3] =	wrdreg s24  }
0xb0: {  	[dreg:$0x4] =	wrdreg $0x9  }
0xb1: {  	_ =	task.clear_ibuf [dreg:s7], $0x5FFFF;
	_ =	strace $0x90000046  }
0xb2: {  	s29 =	simm.s32 $0x9;
	_ =	strace $0x80000048  }
0xb3: {  	_ =	swait.ge [sflag:s29], $0x1  }
0xb4: {  	[sflag:s29] =	ssyncadd.s32 $0xFFFFFFFF  }
0xb5: {  	_ =	strace $0x90000048  }
0xb6: {  	_ =	sfence  }
0xb7: {  	s30 =	sld [smem:$0x0];
	_ =	sdelay $0x2  }
0xb8: {  	s31 =	sshll.u32 s1, $0xD;
	s1 =	sshrl.u32 s1, $0x2  }
0xb9: {  	s3 =	sand.u32 $0x4000, s31;
	s1 =	sadd.s32 s1, s30  }
0xba: {  	s0 =	sor.u32 s3, s0;
	s1 =	sshll.u32 s1, $0x11  }
0xbb: {  	s0 =	sor.u32 s1, s0  }
0xbc: {  	s0 =	sadd.s32 $0x8F2B, s0  }
0xbd: {  	[sflag:s0] =	ssyncadd.remote.s32 $0x1  }
0xbe: {  	_ =	sfence.sel $0xFFFF  }
0xbf: {  	[dreg:$0x0] =	wrdreg $0xFFFFFFFF;
	(pc) =	sbr.abs _section_cstart, $3  }
0xc0: {  	[dreg:$0x1] =	wrdreg $0xFFFFFFFF  }
0xc1: {  	_ =	task.clear_ibuf [dreg:s7], $0x2FFFF;
	_ =	strace $0x9FFFFFFF  }
0xc2: {  	(tm) =	ssettm $0x7FFFFFFF  }
0xc3: {  	_ =	shalt  }
tec
execute0_lowered:
.L_overlay_start_1:
0x0: {  	(tag) =	ssettag $0x1  }
0x1: {  	s1 =	srdreg.scid  }
0x2: {  	s3 =	rddreg [dreg:$0x0];
	s0 =	stileid.u32;
	s14 =	sand.u32 $0x1, s1  }
0x3: {  	s15 =	rddreg [dreg:$0x1];
	s4 =	sshll.u32 s0, $0xA;
	s5 =	sshll.u32 s14, $0x9  }
0x4: {  	s2 =	simm.s32 $0x0;
	s1 =	rddreg [dreg:$0x2];
	s16 =	sor.u32 s5, s4  }
0x5: {  	[smem:$0x7FF] =	sst s2;
	s4 =	sshrl.u32 s16, $0x3  }
0x6: {  	_ =	strace $0x80000047;
	s4 =	sadd.s32 s3, s4;
	s3 =	simm.s32 $0x2  }
0x7: {  	[tilespmem:s2], [sflag:$0x2] =	stream.linear.gather [hbm4b:s4+s2], $0x200, $0x38;
	[tilespmem:$0x8200] =	vst v63  }
0x8: {  	_ =	swait.ge [sflag:s3], $0x200  }
0x9: {  	s6 =	simm.s32 $0x80;
	[sflag:s3] =	ssyncset.done $0x0  }
0xa: {  	s7 =	simm.s32 $0x200;
	s5 =	sadd.s32 $0xF42A00, s15;
	[sflag:s3] =	ssyncadd.s32 $0xFFFFFE00  }
0xb: {  	[tilespmem:s7], [sflag:$0x1] =	stream.indirect.gather [hbm4b:s5+s6], $0x40, s2, s6, $0xb8;
	[tilespmem:$0x8200] =	vst v63  }
0xc: {  	s8 =	simm.s32 $0x2200  }
0xd: {  	[tilespmem:s8], [sflag:$0x1] =	stream.indirect.gather [hbm4b:s5+s6], $0x40, s6, s6, $0xb8;
	[tilespmem:$0x8200] =	vst v63  }
0xe: {  	s9 =	simm.s32 $0x100;
	s10 =	simm.s32 $0x4200  }
0xf: {  	[tilespmem:s10], [sflag:$0x1] =	stream.indirect.gather [hbm4b:s5+s6], $0x40, s9, s6, $0xb8;
	[tilespmem:$0x8200] =	vst v63  }
0x10: {  	s11 =	simm.s32 $0x180;
	s12 =	simm.s32 $0x6200;
	s13 =	simm.s32 $0x1  }
0x11: {  	[tilespmem:s12], [sflag:$0x1] =	stream.indirect.gather [hbm4b:s5+s6], $0x40, s11, s6, $0xb8;
	[tilespmem:$0x8200] =	vst v63  }
0x12: {  	_ =	swait.ge [sflag:s13], $0x2000  }
0x13: {  	[sflag:s13] =	ssyncset.done $0x0  }
0x14: {  	[sflag:s13] =	ssyncadd.s32 $0xFFFFE000  }
0x15: {  	_ =	swait.ge [sflag:s13], $0x2000  }
0x16: {  	[sflag:s13] =	ssyncset.done $0x0  }
0x17: {  	s14 =	ssub.s32 $0x2, s14;
	[sflag:s13] =	ssyncadd.s32 $0xFFFFE000  }
0x18: {  	s17 =	sshrl.u32 s14, $0x1;
	_ =	swait.ge [sflag:s13], $0x2000  }
0x19: {  	s30 =	ssub.s32 s14, s17;
	[sflag:s13] =	ssyncset.done $0x0  }
0x1a: {  	s31 =	smax.u32 s30, $0x1;
	[sflag:s13] =	ssyncadd.s32 $0xFFFFE000  }
0x1b: {  	s16 =	sshll.u32 s16, $0x3;
	p0 =	sne.s32 s31, $0x1;
	_ =	swait.ge [sflag:s13], $0x2000  }
.Ltmp0:
0x1c: {  	s15 =	sadd.s32 s16, s15;
	[sflag:s13] =	ssyncset.done $0x0;
	(pc) =	sbr.rel @!p0 .LBB2_2-.Ltmp0, $4  }
0x1d: {  	s14 =	sadd.s32 $0x600, s15;
	[sflag:s13] =	ssyncadd.s32 $0xFFFFE000  }
0x1e: {  	[hbm4b:s14+s2] =	stream.linear.scatter [tilespmem:s7], [sflag:$0x2], $0x8000, $0x38;
	[tilespmem:$0x8200] =	vst v63  }
0x1f: {  	_ =	swait.ge [sflag:s3], $0x8000  }
0x20: {  	s15 =	sadd.s32 $0xFFFFFFFF, s31;
	[sflag:s3] =	ssyncset.done $0x0  }
.LBB2_1:
0x21: {  	p0 =	sne.s32 s15, $0x1;
	s15 =	sadd.s32 $0xFFFFFFFF, s15;
	[sflag:s3] =	ssyncadd.s32 $0xFFFF8000  }
0x22: {  	[tilespmem:s2], [sflag:$0x2] =	stream.linear.gather [hbm4b:s4+s2], $0x200, $0x38;
	[tilespmem:$0x8200] =	vst v63  }
0x23: {  	_ =	swait.ge [sflag:s3], $0x200  }
0x24: {  	[sflag:s3] =	ssyncset.done $0x0  }
0x25: {  	[sflag:s3] =	ssyncadd.s32 $0xFFFFFE00  }
0x26: {  	[tilespmem:s7], [sflag:$0x1] =	stream.indirect.gather [hbm4b:s5+s6], $0x40, s2, s6, $0xb8;
	[tilespmem:$0x8200] =	vst v63  }
0x27: {  	_ = 	snop  }
0x28: {  	[tilespmem:s8], [sflag:$0x1] =	stream.indirect.gather [hbm4b:s5+s6], $0x40, s6, s6, $0xb8;
	[tilespmem:$0x8200] =	vst v63  }
0x29: {  	_ = 	snop  }
0x2a: {  	[tilespmem:s10], [sflag:$0x1] =	stream.indirect.gather [hbm4b:s5+s6], $0x40, s9, s6, $0xb8;
	[tilespmem:$0x8200] =	vst v63  }
0x2b: {  	_ = 	snop  }
0x2c: {  	[tilespmem:s12], [sflag:$0x1] =	stream.indirect.gather [hbm4b:s5+s6], $0x40, s11, s6, $0xb8;
	[tilespmem:$0x8200] =	vst v63  }
0x2d: {  	_ =	swait.ge [sflag:s13], $0x2000  }
0x2e: {  	[sflag:s13] =	ssyncset.done $0x0  }
0x2f: {  	[sflag:s13] =	ssyncadd.s32 $0xFFFFE000  }
0x30: {  	_ =	swait.ge [sflag:s13], $0x2000  }
0x31: {  	[sflag:s13] =	ssyncset.done $0x0  }
0x32: {  	[sflag:s13] =	ssyncadd.s32 $0xFFFFE000  }
0x33: {  	_ =	swait.ge [sflag:s13], $0x2000  }
0x34: {  	[sflag:s13] =	ssyncset.done $0x0  }
0x35: {  	[sflag:s13] =	ssyncadd.s32 $0xFFFFE000  }
0x36: {  	_ =	swait.ge [sflag:s13], $0x2000  }
.Ltmp1:
0x37: {  	[sflag:s13] =	ssyncset.done $0x0;
	(pc) =	sbr.rel @p0 .LBB2_1-.Ltmp1, $4  }
0x38: {  	[sflag:s13] =	ssyncadd.s32 $0xFFFFE000  }
0x39: {  	[hbm4b:s14+s2] =	stream.linear.scatter [tilespmem:s7], [sflag:$0x2], $0x8000, $0x38;
	[tilespmem:$0x8200] =	vst v63  }
0x3a: {  	_ =	swait.ge [sflag:s3], $0x8000  }
0x3b: {  	[sflag:s3] =	ssyncset.done $0x0  }
.LBB2_2:
0x3c: {  	[sflag:s3] =	ssyncadd.s32 $0xFFFF8000  }
0x3d: {  	_ =	sfence.sel $0x180000  }
0x3e: {  	[bflag:$0x0] =	sbarrier.arrive $0xFFFF  }
0x3f: {  	p0 =	sne.s32 s0, $0x0;
	_ =	strace $0x90000047  }
0x40: {  	s0 =	sadd.s32 @!p0 $0x100000, s1;
	[bflag:$0x2] =	sbarrier.arrive $0xFFFF  }
0x41: {  	[sflag:s0] =	ssyncadd.tile.s32 @!p0 $0x1;
	_ =	shalt  }
.Lfunc_end2:
_tile_overlayer_lowered:
.L_overlay_start_2:
0x42: {  	(tag) =	ssettag $0x2  }
0x43: {  	s0 =	rddreg [dreg:$0x0];
	s2 =	stileid.u32  }
0x44: {  	s1 =	rddreg [dreg:$0x1];
	p0 =	sne.s32 s2, $0x0  }
0x45: {  	s3 =	rddreg [dreg:$0x2];
	[bflag:$0x3] =	sbarrier.arrive $0xFFFF;
	s2 =	simm.s32 @!p0 $0x1C02  }
0x46: {  	[timem:s3], [sflag:s2] =	dma.local @!p0 [hbm:s0], s1  }
0x47: {  	s0 =	simm.s32 @!p0 $0x2  }
0x48: {  	_ =	swait.ge @!p0 [sflag:s0], s1  }
0x49: {  	s1 =	ssub.s32 @!p0 $0x0, s1;
	[sflag:s0] =	ssyncset.done @!p0 $0x0  }
0x4a: {  	[sflag:s0] =	ssyncadd.s32 @!p0 s1  }
0x4b: {  	[bflag:$0x3] =	sbarrier.arrive $0xFFFF  }
0x4c: {  	_ =	shalt  }

</sc_bundles>
